<compile_context>
chip_gen: v7x
topology: tpu7x:2x2x1
jax: 0.10.2.dev20260603
libtpu: 0.0.44.dev20260713+nightly
codegen_flags: <defaults>
</compile_context>

<pallas_src>
import functools

import jax
import jax.numpy as jnp
from jax import lax
from jax.experimental import pallas as pl
from jax.experimental.pallas import tpu as pltpu
from jax.experimental.pallas import tpu_sc as plsc

N_CODES = 8192
N_POINTS = 8192
DIM = 64
BLK_Z = 4096
BLK_C = 2048
N_CB_BLOCKS = N_CODES // BLK_C


def _dist_argmin_body(z_ref, cb_ref, out_ref, best_val, best_idx,
                      zt16_s, cbn16_s, zz_s, ee_s):
    i = pl.program_id(0)
    j = pl.program_id(1)

    @pl.when((i == 0) & (j == 0))
    def _():
        cbv = cb_ref[...]
        cbn16_s[...] = (-2.0 * cbv).astype(jnp.bfloat16)
        ee_s[...] = jnp.sum(cbv * cbv, axis=1, keepdims=True)
        for b in range(N_POINTS // 1024):
            zb = z_ref[b, :, :]
            zt16_s[:, b * 1024:(b + 1) * 1024] = zb.astype(jnp.bfloat16)
            zz_s[:, b * 1024:(b + 1) * 1024] = jnp.sum(
                zb * zb, axis=0, keepdims=True)

    dotn = lax.dot_general(
        cbn16_s[pl.ds(j * BLK_C, BLK_C), :],
        zt16_s[:, pl.ds(i * BLK_Z, BLK_Z)],
        dimension_numbers=(((1,), (0,)), ((), ())),
        preferred_element_type=jnp.float32,
    )
    d = (zz_s[:, pl.ds(i * BLK_Z, BLK_Z)] + dotn) + ee_s[pl.ds(j * BLK_C, BLK_C), :]
    m = jnp.min(d, axis=0, keepdims=True)
    iota = (lax.broadcasted_iota(jnp.int32, (BLK_C, 1), 0)
            + j * BLK_C).astype(jnp.float32)
    im = jnp.min(jnp.where(d == m, iota, jnp.float32(jnp.inf)),
                 axis=0, keepdims=True).astype(jnp.int32)

    @pl.when(j == 0)
    def _():
        best_val[...] = m
        best_idx[...] = im

    @pl.when(j > 0)
    def _():
        better = m < best_val[...]
        best_idx[...] = jnp.where(better, im, best_idx[...])
        best_val[...] = jnp.minimum(m, best_val[...])

    @pl.when(j == N_CB_BLOCKS // 2 - 1)
    def _():
        best_val[...] = best_val[...].astype(jnp.bfloat16).astype(jnp.float32)

    @pl.when(j == N_CB_BLOCKS - 1)
    def _():
        out_ref[...] = best_idx[...]


def _tc_argmin(z_e3, codebook):
    return pl.pallas_call(
        _dist_argmin_body,
        grid=(N_POINTS // BLK_Z, N_CB_BLOCKS),
        in_specs=[
            pl.BlockSpec((N_POINTS // 1024, DIM, 1024), lambda i, j: (0, 0, 0)),
            pl.BlockSpec((N_CODES, DIM), lambda i, j: (0, 0)),
        ],
        out_specs=pl.BlockSpec((1, BLK_Z), lambda i, j: (0, i)),
        out_shape=jax.ShapeDtypeStruct((1, N_POINTS), jnp.int32),
        scratch_shapes=[
            pltpu.VMEM((1, BLK_Z), jnp.float32),
            pltpu.VMEM((1, BLK_Z), jnp.int32),
            pltpu.VMEM((DIM, N_POINTS), jnp.bfloat16),
            pltpu.VMEM((N_CODES, DIM), jnp.bfloat16),
            pltpu.VMEM((1, N_POINTS), jnp.float32),
            pltpu.VMEM((N_CODES, 1), jnp.float32),
        ],
        compiler_params=pltpu.CompilerParams(
            dimension_semantics=("arbitrary", "arbitrary"),
        ),
    )(z_e3, codebook)


_NC, _NS = 2, 16
_NW = _NC * _NS
_ROWS_PER_W = N_POINTS // _NW
DIM_PAD = DIM


@functools.cache
def _make_sc_gather():
    @functools.partial(
        pl.kernel,
        mesh=plsc.VectorSubcoreMesh(core_axis_name="c", subcore_axis_name="s"),
        out_type=jax.ShapeDtypeStruct((N_POINTS, DIM_PAD), jnp.float32),
        scratch_types=[
            pltpu.VMEM((_ROWS_PER_W,), jnp.int32),
            pltpu.VMEM((_ROWS_PER_W, DIM_PAD), jnp.float32),
            pltpu.SemaphoreType.DMA,
        ],
        compiler_params=pltpu.CompilerParams(use_tc_tiling_on_sc=False),
    )
    def _sc_gather(table_hbm, idx_hbm, out_hbm, idx_v, rows_v, sem):
        wid = lax.axis_index("s") * _NC + lax.axis_index("c")
        base = wid * _ROWS_PER_W
        pltpu.sync_copy(idx_hbm.at[pl.ds(base, _ROWS_PER_W)], idx_v)
        pltpu.async_copy(table_hbm.at[idx_v], rows_v, sem).wait()
        pltpu.sync_copy(rows_v, out_hbm.at[pl.ds(base, _ROWS_PER_W)])

    return _sc_gather


def kernel(z_e, codebook):
    B, C, H, W = z_e.shape
    indices = _tc_argmin(z_e.reshape(B, C, H * W), codebook).reshape(-1)
    z_q_flat = _make_sc_gather()(codebook, indices)
    z_q = jnp.transpose(z_q_flat.reshape(B, H, W, C), (0, 3, 1, 2))
    indices_out = indices.reshape(B, H * W)
    return (z_q, indices_out, z_q)

# --- scband reference (transcript-rebuilt; emitter-appended) ---
"""Pipeline reference for scband-vector-quantizer-21423296872766 (READ-ONLY COPY).

The authoritative reference and input builder live on the scoring server;
editing this copy changes nothing except your own understanding.
"""

import jax, jax.numpy as jnp
import numpy as np

NUM_EMBEDDINGS = 8192
EMBEDDING_DIM = 64


def setup_inputs(seed: int = 0) -> dict:
    key = jax.random.key(seed)
    k1, k2 = jax.random.split(key)
    z_e = jax.random.normal(k1, (8, EMBEDDING_DIM, 32, 32), dtype=jnp.float32)
    # embedding weight initialized N(0,1) as in the torch module
    codebook = jax.random.normal(k2, (NUM_EMBEDDINGS, EMBEDDING_DIM), dtype=jnp.float32)
    return {"z_e": z_e, "codebook": codebook}


def reference(z_e, codebook):
    # eval-mode forward (no EMA buffer updates)
    B, C, H, W = z_e.shape
    z_flat = jnp.transpose(z_e, (0, 2, 3, 1)).reshape(-1, C)
    # squared euclidean distances, equivalent to torch.cdist(...,p=2).pow(2)
    zz = jnp.sum(z_flat * z_flat, axis=1, keepdims=True)
    ee = jnp.sum(codebook * codebook, axis=1)[None, :]
    distances = zz - 2.0 * (z_flat @ codebook.T) + ee
    indices = jnp.argmin(distances, axis=1)
    z_q_flat = jnp.take(codebook, indices, axis=0)
    z_q = jnp.transpose(z_q_flat.reshape(B, H, W, C), (0, 3, 1, 2))
    z_q_st = z_e + jax.lax.stop_gradient(z_q - z_e)
    indices_out = indices.reshape(B, H * W)
    return (z_q_st, indices_out, z_q)

if __name__ == "__main__":
    import jax
    _d = setup_inputs()
    print(jax.jit(kernel)(*tuple(_d.values())))

</pallas_src>

<mosaic_0001>
#map = affine_map<(d0, d1) -> (0, 0)>
#map1 = affine_map<(d0, d1) -> (0)>
module attributes {stable_mosaic.version = 14 : i64} {
  func.func @_sc_gather(%arg0: i32, %arg1: i32, %arg2: memref<8192x64xf32, #tpu.memory_space<hbm>>, %arg3: memref<8192xi32, #tpu.memory_space<hbm>>, %arg4: memref<8192x64xf32, #tpu.memory_space<hbm>>, %arg5: memref<256xi32, #tpu.memory_space<vmem>>, %arg6: memref<256x64xf32, #tpu.memory_space<vmem>>, %arg7: memref<!tpu.dma_semaphore, #tpu.memory_space<semaphore_mem>>) attributes {dimension_semantics = [#tpu.dimension_semantics<core_parallel>, #tpu.dimension_semantics<subcore_parallel>], iteration_bounds = array<i64: 2, 16>, scalar_prefetch = 0 : i64, scratch_operands = 3 : i64, tpu.core_type = #tpu.core_type<sc_vector_subcore>, window_params = [{transform_indices = #map}, {transform_indices = #map1}, {transform_indices = #map}]} {
    %mul3A = arith.constant 2 : i32
    %mul3A_0 = arith.muli %arg1, %mul3A : i32
    %add3A = arith.addi %mul3A_0, %arg0 : i32
    %mul3A_1 = arith.constant 256 : i32
    %mul3A_2 = arith.muli %add3A, %mul3A_1 : i32
    "tpu.region"() ({
      %run_scoped3A = tpu.sem_alloc : memref<!tpu.dma_semaphore, #tpu.memory_space<semaphore_mem>>
      %dma_start3A_7 = tpu.memref_slice %arg3[%mul3A_2] : memref<8192xi32, #tpu.memory_space<hbm>> -> memref<256xi32, #tpu.memory_space<hbm>>
      %dma_start3A_8 = tpu.memref_slice %arg3[%mul3A_2] : memref<8192xi32, #tpu.memory_space<hbm>> -> memref<256xi32, #tpu.memory_space<hbm>>
      tpu.enqueue_dma source(%dma_start3A_8 : memref<256xi32, #tpu.memory_space<hbm>>) target(%arg5 : memref<256xi32, #tpu.memory_space<vmem>>) target_semaphore(%run_scoped3A : memref<!tpu.dma_semaphore, #tpu.memory_space<semaphore_mem>>)
      %dma_wait3A_9 = tpu.memref_slice %arg3[%mul3A_2] : memref<8192xi32, #tpu.memory_space<hbm>> -> memref<256xi32, #tpu.memory_space<hbm>>
      %dma_wait3A_10 = tpu.memref_slice %arg3[%mul3A_2] : memref<8192xi32, #tpu.memory_space<hbm>> -> memref<256xi32, #tpu.memory_space<hbm>>
      tpu.wait_dma2 semaphore(%run_scoped3A : memref<!tpu.dma_semaphore, #tpu.memory_space<semaphore_mem>>) src(%dma_wait3A_10 : memref<256xi32, #tpu.memory_space<hbm>>) dst(%arg5 : memref<256xi32, #tpu.memory_space<vmem>>)
      tpu.yield
    }) : () -> ()
    %dma_start3A = arith.constant 0 : i32
    %dma_start3A_3 = arith.constant 0 : i32
    %dma_start3A_4 = tpu.memref_slice %arg2[%dma_start3A, %dma_start3A_3] : memref<8192x64xf32, #tpu.memory_space<hbm>> -> memref<8192x64xf32, #tpu.memory_space<hbm>>
    tpu.enqueue_indirect_dma source(%dma_start3A_4 : memref<8192x64xf32, #tpu.memory_space<hbm>>) target(%arg6 : memref<256x64xf32, #tpu.memory_space<vmem>>) offsets(%arg5 : memref<256xi32, #tpu.memory_space<vmem>>) semaphore(%arg7 : memref<!tpu.dma_semaphore, #tpu.memory_space<semaphore_mem>>)
    %dma_wait3A = arith.constant 0 : i32
    %dma_wait3A_5 = arith.constant 0 : i32
    %dma_wait3A_6 = tpu.memref_slice %arg2[%dma_wait3A, %dma_wait3A_5] : memref<8192x64xf32, #tpu.memory_space<hbm>> -> memref<8192x64xf32, #tpu.memory_space<hbm>>
    tpu.wait_indirect_dma semaphore(%arg7 : memref<!tpu.dma_semaphore, #tpu.memory_space<semaphore_mem>>) src(%dma_wait3A_6 : memref<8192x64xf32, #tpu.memory_space<hbm>>) dst(%arg6 : memref<256x64xf32, #tpu.memory_space<vmem>>)
    "tpu.region"() ({
      %run_scoped3A = tpu.sem_alloc : memref<!tpu.dma_semaphore, #tpu.memory_space<semaphore_mem>>
      %dma_start3A_7 = arith.constant 0 : i32
      %dma_start3A_8 = tpu.memref_slice %arg4[%mul3A_2, %dma_start3A_7] : memref<8192x64xf32, #tpu.memory_space<hbm>> -> memref<256x64xf32, #tpu.memory_space<hbm>>
      %dma_start3A_9 = arith.constant 0 : i32
      %dma_start3A_10 = tpu.memref_slice %arg4[%mul3A_2, %dma_start3A_9] : memref<8192x64xf32, #tpu.memory_space<hbm>> -> memref<256x64xf32, #tpu.memory_space<hbm>>
      tpu.enqueue_dma source(%arg6 : memref<256x64xf32, #tpu.memory_space<vmem>>) target(%dma_start3A_10 : memref<256x64xf32, #tpu.memory_space<hbm>>) target_semaphore(%run_scoped3A : memref<!tpu.dma_semaphore, #tpu.memory_space<semaphore_mem>>)
      %dma_wait3A_11 = arith.constant 0 : i32
      %dma_wait3A_12 = tpu.memref_slice %arg4[%mul3A_2, %dma_wait3A_11] : memref<8192x64xf32, #tpu.memory_space<hbm>> -> memref<256x64xf32, #tpu.memory_space<hbm>>
      %dma_wait3A_13 = arith.constant 0 : i32
      %dma_wait3A_14 = tpu.memref_slice %arg4[%mul3A_2, %dma_wait3A_13] : memref<8192x64xf32, #tpu.memory_space<hbm>> -> memref<256x64xf32, #tpu.memory_space<hbm>>
      tpu.wait_dma2 semaphore(%run_scoped3A : memref<!tpu.dma_semaphore, #tpu.memory_space<semaphore_mem>>) src(%arg6 : memref<256x64xf32, #tpu.memory_space<vmem>>) dst(%dma_wait3A_14 : memref<256x64xf32, #tpu.memory_space<hbm>>)
      tpu.yield
    }) : () -> ()
    return
  }
}

module attributes {stable_mosaic.version = 14 : i64} {
  func.func @_dist_argmin_body(%arg0: i32, %arg1: i32, %arg2: memref<8x64x1024xf32, #tpu.memory_space<vmem>>, %arg3: memref<8192x64xf32, #tpu.memory_space<vmem>>, %arg4: memref<1x4096xi32, #tpu.memory_space<vmem>>, %arg5: memref<1x4096xf32, #tpu.memory_space<vmem>>, %arg6: memref<1x4096xi32, #tpu.memory_space<vmem>>, %arg7: memref<64x8192xbf16, #tpu.memory_space<vmem>>, %arg8: memref<8192x64xbf16, #tpu.memory_space<vmem>>, %arg9: memref<1x8192xf32, #tpu.memory_space<vmem>>, %arg10: memref<8192x1xf32, #tpu.memory_space<vmem>>) attributes {dimension_semantics = [#tpu.dimension_semantics<arbitrary>, #tpu.dimension_semantics<arbitrary>], iteration_bounds = array<i64: 2, 4>, scalar_prefetch = 0 : i64, scratch_operands = 6 : i64, tpu.core_type = #tpu.core_type<tc>, window_params = [{pipeline_mode = #tpu.pipeline_mode<synchronous>, transform_indices = @transform_0, window_bounds = array<i64: 8, 64, 1024>}, {pipeline_mode = #tpu.pipeline_mode<synchronous>, transform_indices = @transform_1, window_bounds = array<i64: 8192, 64>}, {transform_indices = @transform_2, window_bounds = array<i64: 1, 4096>}]} {
    %eq3A = arith.constant 0 : i32
    %eq3A_0 = arith.cmpi eq, %arg0, %eq3A : i32
    %eq3A_1 = arith.constant 0 : i32
    %eq3A_2 = arith.cmpi eq, %arg1, %eq3A_1 : i32
    %and3A = arith.andi %eq3A_0, %eq3A_2 : i1
    %convert_element_type3A = arith.extui %and3A : i1 to i32
    %cond3A = arith.constant 0 : i32
    %cond3A_3 = arith.cmpi ne, %convert_element_type3A, %cond3A : i32
    scf.if %cond3A_3 {
      %get3A_60 = arith.constant 0 : index
      %get3A_61 = arith.constant 0 : index
      %get3A_62 = vector.load %arg3[%get3A_60, %get3A_61] : memref<8192x64xf32, #tpu.memory_space<vmem>>, vector<8192x64xf32>
      %mul3A_63 = arith.constant -2.000000e+00 : f32
      %mul3A_64 = vector.broadcast %mul3A_63 : f32 to vector<8192x64xf32>
      %mul3A_65 = arith.mulf %mul3A_64, %get3A_62 : vector<8192x64xf32>
      %convert_element_type3A_66 = arith.truncf %mul3A_65 : vector<8192x64xf32> to vector<8192x64xbf16>
      %swap3A = arith.constant 0 : index
      %swap3A_67 = arith.constant 0 : index
      %swap3A_68 = vector.load %arg8[%swap3A, %swap3A_67] : memref<8192x64xbf16, #tpu.memory_space<vmem>>, vector<8192x64xbf16>
      tpu.vector_store %arg8[%swap3A, %swap3A_67], %convert_element_type3A_66 {strides = array<i32>} : memref<8192x64xbf16, #tpu.memory_space<vmem>>, vector<8192x64xbf16>,
      %mul3A_69 = arith.mulf %get3A_62, %get3A_62 : vector<8192x64xf32>
      %reduce_sum3A = arith.constant dense<0.000000e+00> : vector<8192xf32>
      %reduce_sum3A_70 = vector.multi_reduction <add>, %mul3A_69, %reduce_sum3A [1] : vector<8192x64xf32> to vector<8192xf32>
      %broadcast_in_dim3A_71 = vector.shape_cast %reduce_sum3A_70 : vector<8192xf32> to vector<8192x1xf32>
      %swap3A_72 = arith.constant 0 : index
      %swap3A_73 = arith.constant 0 : index
      %swap3A_74 = vector.load %arg10[%swap3A_72, %swap3A_73] : memref<8192x1xf32, #tpu.memory_space<vmem>>, vector<8192x1xf32>
      tpu.vector_store %arg10[%swap3A_72, %swap3A_73], %broadcast_in_dim3A_71 {strides = array<i32>} : memref<8192x1xf32, #tpu.memory_space<vmem>>, vector<8192x1xf32>,
      %get3A_75 = arith.constant 0 : index
      %get3A_76 = arith.constant 0 : index
      %get3A_77 = arith.constant 0 : index
      %get3A_78 = vector.load %arg2[%get3A_75, %get3A_76, %get3A_77] : memref<8x64x1024xf32, #tpu.memory_space<vmem>>, vector<1x64x1024xf32>
      %get3A_79 = vector.shape_cast %get3A_78 : vector<1x64x1024xf32> to vector<64x1024xf32>
      %convert_element_type3A_80 = arith.truncf %get3A_79 : vector<64x1024xf32> to vector<64x1024xbf16>
      %swap3A_81 = arith.constant 0 : index
      %swap3A_82 = arith.constant 0 : index
      %swap3A_83 = vector.load %arg7[%swap3A_81, %swap3A_82] : memref<64x8192xbf16, #tpu.memory_space<vmem>>, vector<64x1024xbf16>
      tpu.vector_store %arg7[%swap3A_81, %swap3A_82], %convert_element_type3A_80 {strides = array<i32>} : memref<64x8192xbf16, #tpu.memory_space<vmem>>, vector<64x1024xbf16>,
      %mul3A_84 = arith.mulf %get3A_79, %get3A_79 : vector<64x1024xf32>
      %reduce_sum3A_85 = arith.constant dense<0.000000e+00> : vector<1024xf32>
      %reduce_sum3A_86 = vector.multi_reduction <add>, %mul3A_84, %reduce_sum3A_85 [0] : vector<64x1024xf32> to vector<1024xf32>
      %broadcast_in_dim3A_87 = vector.shape_cast %reduce_sum3A_86 : vector<1024xf32> to vector<1x1024xf32>
      %swap3A_88 = arith.constant 0 : index
      %swap3A_89 = arith.constant 0 : index
      %swap3A_90 = vector.load %arg9[%swap3A_88, %swap3A_89] : memref<1x8192xf32, #tpu.memory_space<vmem>>, vector<1x1024xf32>
      tpu.vector_store %arg9[%swap3A_88, %swap3A_89], %broadcast_in_dim3A_87 {strides = array<i32>} : memref<1x8192xf32, #tpu.memory_space<vmem>>, vector<1x1024xf32>,
      %get3A_91 = arith.constant 1 : index
      %get3A_92 = arith.constant 0 : index
      %get3A_93 = arith.constant 0 : index
      %get3A_94 = vector.load %arg2[%get3A_91, %get3A_92, %get3A_93] : memref<8x64x1024xf32, #tpu.memory_space<vmem>>, vector<1x64x1024xf32>
      %get3A_95 = vector.shape_cast %get3A_94 : vector<1x64x1024xf32> to vector<64x1024xf32>
      %convert_element_type3A_96 = arith.truncf %get3A_95 : vector<64x1024xf32> to vector<64x1024xbf16>
      %swap3A_97 = arith.constant 0 : index
      %swap3A_98 = arith.constant 1024 : index
      %swap3A_99 = vector.load %arg7[%swap3A_97, %swap3A_98] : memref<64x8192xbf16, #tpu.memory_space<vmem>>, vector<64x1024xbf16>
      tpu.vector_store %arg7[%swap3A_97, %swap3A_98], %convert_element_type3A_96 {strides = array<i32>} : memref<64x8192xbf16, #tpu.memory_space<vmem>>, vector<64x1024xbf16>,
      %mul3A_100 = arith.mulf %get3A_95, %get3A_95 : vector<64x1024xf32>
      %reduce_sum3A_101 = arith.constant dense<0.000000e+00> : vector<1024xf32>
      %reduce_sum3A_102 = vector.multi_reduction <add>, %mul3A_100, %reduce_sum3A_101 [0] : vector<64x1024xf32> to vector<1024xf32>
      %broadcast_in_dim3A_103 = vector.shape_cast %reduce_sum3A_102 : vector<1024xf32> to vector<1x1024xf32>
      %swap3A_104 = arith.constant 0 : index
      %swap3A_105 = arith.constant 1024 : index
      %swap3A_106 = vector.load %arg9[%swap3A_104, %swap3A_105] : memref<1x8192xf32, #tpu.memory_space<vmem>>, vector<1x1024xf32>
      tpu.vector_store %arg9[%swap3A_104, %swap3A_105], %broadcast_in_dim3A_103 {strides = array<i32>} : memref<1x8192xf32, #tpu.memory_space<vmem>>, vector<1x1024xf32>,
      %get3A_107 = arith.constant 2 : index
      %get3A_108 = arith.constant 0 : index
      %get3A_109 = arith.constant 0 : index
      %get3A_110 = vector.load %arg2[%get3A_107, %get3A_108, %get3A_109] : memref<8x64x1024xf32, #tpu.memory_space<vmem>>, vector<1x64x1024xf32>
      %get3A_111 = vector.shape_cast %get3A_110 : vector<1x64x1024xf32> to vector<64x1024xf32>
      %convert_element_type3A_112 = arith.truncf %get3A_111 : vector<64x1024xf32> to vector<64x1024xbf16>
      %swap3A_113 = arith.constant 0 : index
      %swap3A_114 = arith.constant 2048 : index
      %swap3A_115 = vector.load %arg7[%swap3A_113, %swap3A_114] : memref<64x8192xbf16, #tpu.memory_space<vmem>>, vector<64x1024xbf16>
      tpu.vector_store %arg7[%swap3A_113, %swap3A_114], %convert_element_type3A_112 {strides = array<i32>} : memref<64x8192xbf16, #tpu.memory_space<vmem>>, vector<64x1024xbf16>,
      %mul3A_116 = arith.mulf %get3A_111, %get3A_111 : vector<64x1024xf32>
      %reduce_sum3A_117 = arith.constant dense<0.000000e+00> : vector<1024xf32>
      %reduce_sum3A_118 = vector.multi_reduction <add>, %mul3A_116, %reduce_sum3A_117 [0] : vector<64x1024xf32> to vector<1024xf32>
      %broadcast_in_dim3A_119 = vector.shape_cast %reduce_sum3A_118 : vector<1024xf32> to vector<1x1024xf32>
      %swap3A_120 = arith.constant 0 : index
      %swap3A_121 = arith.constant 2048 : index
      %swap3A_122 = vector.load %arg9[%swap3A_120, %swap3A_121] : memref<1x8192xf32, #tpu.memory_space<vmem>>, vector<1x1024xf32>
      tpu.vector_store %arg9[%swap3A_120, %swap3A_121], %broadcast_in_dim3A_119 {strides = array<i32>} : memref<1x8192xf32, #tpu.memory_space<vmem>>, vector<1x1024xf32>,
      %get3A_123 = arith.constant 3 : index
      %get3A_124 = arith.constant 0 : index
      %get3A_125 = arith.constant 0 : index
      %get3A_126 = vector.load %arg2[%get3A_123, %get3A_124, %get3A_125] : memref<8x64x1024xf32, #tpu.memory_space<vmem>>, vector<1x64x1024xf32>
      %get3A_127 = vector.shape_cast %get3A_126 : vector<1x64x1024xf32> to vector<64x1024xf32>
      %convert_element_type3A_128 = arith.truncf %get3A_127 : vector<64x1024xf32> to vector<64x1024xbf16>
      %swap3A_129 = arith.constant 0 : index
      %swap3A_130 = arith.constant 3072 : index
      %swap3A_131 = vector.load %arg7[%swap3A_129, %swap3A_130] : memref<64x8192xbf16, #tpu.memory_space<vmem>>, vector<64x1024xbf16>
      tpu.vector_store %arg7[%swap3A_129, %swap3A_130], %convert_element_type3A_128 {strides = array<i32>} : memref<64x8192xbf16, #tpu.memory_space<vmem>>, vector<64x1024xbf16>,
      %mul3A_132 = arith.mulf %get3A_127, %get3A_127 : vector<64x1024xf32>
      %reduce_sum3A_133 = arith.constant dense<0.000000e+00> : vector<1024xf32>
      %reduce_sum3A_134 = vector.multi_reduction <add>, %mul3A_132, %reduce_sum3A_133 [0] : vector<64x1024xf32> to vector<1024xf32>
      %broadcast_in_dim3A_135 = vector.shape_cast %reduce_sum3A_134 : vector<1024xf32> to vector<1x1024xf32>
      %swap3A_136 = arith.constant 0 : index
      %swap3A_137 = arith.constant 3072 : index
      %swap3A_138 = vector.load %arg9[%swap3A_136, %swap3A_137] : memref<1x8192xf32, #tpu.memory_space<vmem>>, vector<1x1024xf32>
      tpu.vector_store %arg9[%swap3A_136, %swap3A_137], %broadcast_in_dim3A_135 {strides = array<i32>} : memref<1x8192xf32, #tpu.memory_space<vmem>>, vector<1x1024xf32>,
      %get3A_139 = arith.constant 4 : index
      %get3A_140 = arith.constant 0 : index
      %get3A_141 = arith.constant 0 : index
      %get3A_142 = vector.load %arg2[%get3A_139, %get3A_140, %get3A_141] : memref<8x64x1024xf32, #tpu.memory_space<vmem>>, vector<1x64x1024xf32>
      %get3A_143 = vector.shape_cast %get3A_142 : vector<1x64x1024xf32> to vector<64x1024xf32>
      %convert_element_type3A_144 = arith.truncf %get3A_143 : vector<64x1024xf32> to vector<64x1024xbf16>
      %swap3A_145 = arith.constant 0 : index
      %swap3A_146 = arith.constant 4096 : index
      %swap3A_147 = vector.load %arg7[%swap3A_145, %swap3A_146] : memref<64x8192xbf16, #tpu.memory_space<vmem>>, vector<64x1024xbf16>
      tpu.vector_store %arg7[%swap3A_145, %swap3A_146], %convert_element_type3A_144 {strides = array<i32>} : memref<64x8192xbf16, #tpu.memory_space<vmem>>, vector<64x1024xbf16>,
      %mul3A_148 = arith.mulf %get3A_143, %get3A_143 : vector<64x1024xf32>
      %reduce_sum3A_149 = arith.constant dense<0.000000e+00> : vector<1024xf32>
      %reduce_sum3A_150 = vector.multi_reduction <add>, %mul3A_148, %reduce_sum3A_149 [0] : vector<64x1024xf32> to vector<1024xf32>
      %broadcast_in_dim3A_151 = vector.shape_cast %reduce_sum3A_150 : vector<1024xf32> to vector<1x1024xf32>
      %swap3A_152 = arith.constant 0 : index
      %swap3A_153 = arith.constant 4096 : index
      %swap3A_154 = vector.load %arg9[%swap3A_152, %swap3A_153] : memref<1x8192xf32, #tpu.memory_space<vmem>>, vector<1x1024xf32>
      tpu.vector_store %arg9[%swap3A_152, %swap3A_153], %broadcast_in_dim3A_151 {strides = array<i32>} : memref<1x8192xf32, #tpu.memory_space<vmem>>, vector<1x1024xf32>,
      %get3A_155 = arith.constant 5 : index
      %get3A_156 = arith.constant 0 : index
      %get3A_157 = arith.constant 0 : index
      %get3A_158 = vector.load %arg2[%get3A_155, %get3A_156, %get3A_157] : memref<8x64x1024xf32, #tpu.memory_space<vmem>>, vector<1x64x1024xf32>
      %get3A_159 = vector.shape_cast %get3A_158 : vector<1x64x1024xf32> to vector<64x1024xf32>
      %convert_element_type3A_160 = arith.truncf %get3A_159 : vector<64x1024xf32> to vector<64x1024xbf16>
      %swap3A_161 = arith.constant 0 : index
      %swap3A_162 = arith.constant 5120 : index
      %swap3A_163 = vector.load %arg7[%swap3A_161, %swap3A_162] : memref<64x8192xbf16, #tpu.memory_space<vmem>>, vector<64x1024xbf16>
      tpu.vector_store %arg7[%swap3A_161, %swap3A_162], %convert_element_type3A_160 {strides = array<i32>} : memref<64x8192xbf16, #tpu.memory_space<vmem>>, vector<64x1024xbf16>,
      %mul3A_164 = arith.mulf %get3A_159, %get3A_159 : vector<64x1024xf32>
      %reduce_sum3A_165 = arith.constant dense<0.000000e+00> : vector<1024xf32>
      %reduce_sum3A_166 = vector.multi_reduction <add>, %mul3A_164, %reduce_sum3A_165 [0] : vector<64x1024xf32> to vector<1024xf32>
      %broadcast_in_dim3A_167 = vector.shape_cast %reduce_sum3A_166 : vector<1024xf32> to vector<1x1024xf32>
      %swap3A_168 = arith.constant 0 : index
      %swap3A_169 = arith.constant 5120 : index
      %swap3A_170 = vector.load %arg9[%swap3A_168, %swap3A_169] : memref<1x8192xf32, #tpu.memory_space<vmem>>, vector<1x1024xf32>
      tpu.vector_store %arg9[%swap3A_168, %swap3A_169], %broadcast_in_dim3A_167 {strides = array<i32>} : memref<1x8192xf32, #tpu.memory_space<vmem>>, vector<1x1024xf32>,
      %get3A_171 = arith.constant 6 : index
      %get3A_172 = arith.constant 0 : index
      %get3A_173 = arith.constant 0 : index
      %get3A_174 = vector.load %arg2[%get3A_171, %get3A_172, %get3A_173] : memref<8x64x1024xf32, #tpu.memory_space<vmem>>, vector<1x64x1024xf32>
      %get3A_175 = vector.shape_cast %get3A_174 : vector<1x64x1024xf32> to vector<64x1024xf32>
      %convert_element_type3A_176 = arith.truncf %get3A_175 : vector<64x1024xf32> to vector<64x1024xbf16>
      %swap3A_177 = arith.constant 0 : index
      %swap3A_178 = arith.constant 6144 : index
      %swap3A_179 = vector.load %arg7[%swap3A_177, %swap3A_178] : memref<64x8192xbf16, #tpu.memory_space<vmem>>, vector<64x1024xbf16>
      tpu.vector_store %arg7[%swap3A_177, %swap3A_178], %convert_element_type3A_176 {strides = array<i32>} : memref<64x8192xbf16, #tpu.memory_space<vmem>>, vector<64x1024xbf16>,
      %mul3A_180 = arith.mulf %get3A_175, %get3A_175 : vector<64x1024xf32>
      %reduce_sum3A_181 = arith.constant dense<0.000000e+00> : vector<1024xf32>
      %reduce_sum3A_182 = vector.multi_reduction <add>, %mul3A_180, %reduce_sum3A_181 [0] : vector<64x1024xf32> to vector<1024xf32>
      %broadcast_in_dim3A_183 = vector.shape_cast %reduce_sum3A_182 : vector<1024xf32> to vector<1x1024xf32>
      %swap3A_184 = arith.constant 0 : index
      %swap3A_185 = arith.constant 6144 : index
      %swap3A_186 = vector.load %arg9[%swap3A_184, %swap3A_185] : memref<1x8192xf32, #tpu.memory_space<vmem>>, vector<1x1024xf32>
      tpu.vector_store %arg9[%swap3A_184, %swap3A_185], %broadcast_in_dim3A_183 {strides = array<i32>} : memref<1x8192xf32, #tpu.memory_space<vmem>>, vector<1x1024xf32>,
      %get3A_187 = arith.constant 7 : index
      %get3A_188 = arith.constant 0 : index
      %get3A_189 = arith.constant 0 : index
      %get3A_190 = vector.load %arg2[%get3A_187, %get3A_188, %get3A_189] : memref<8x64x1024xf32, #tpu.memory_space<vmem>>, vector<1x64x1024xf32>
      %get3A_191 = vector.shape_cast %get3A_190 : vector<1x64x1024xf32> to vector<64x1024xf32>
      %convert_element_type3A_192 = arith.truncf %get3A_191 : vector<64x1024xf32> to vector<64x1024xbf16>
      %swap3A_193 = arith.constant 0 : index
      %swap3A_194 = arith.constant 7168 : index
      %swap3A_195 = vector.load %arg7[%swap3A_193, %swap3A_194] : memref<64x8192xbf16, #tpu.memory_space<vmem>>, vector<64x1024xbf16>
      tpu.vector_store %arg7[%swap3A_193, %swap3A_194], %convert_element_type3A_192 {strides = array<i32>} : memref<64x8192xbf16, #tpu.memory_space<vmem>>, vector<64x1024xbf16>,
      %mul3A_196 = arith.mulf %get3A_191, %get3A_191 : vector<64x1024xf32>
      %reduce_sum3A_197 = arith.constant dense<0.000000e+00> : vector<1024xf32>
      %reduce_sum3A_198 = vector.multi_reduction <add>, %mul3A_196, %reduce_sum3A_197 [0] : vector<64x1024xf32> to vector<1024xf32>
      %broadcast_in_dim3A_199 = vector.shape_cast %reduce_sum3A_198 : vector<1024xf32> to vector<1x1024xf32>
      %swap3A_200 = arith.constant 0 : index
      %swap3A_201 = arith.constant 7168 : index
      %swap3A_202 = vector.load %arg9[%swap3A_200, %swap3A_201] : memref<1x8192xf32, #tpu.memory_space<vmem>>, vector<1x1024xf32>
      tpu.vector_store %arg9[%swap3A_200, %swap3A_201], %broadcast_in_dim3A_199 {strides = array<i32>} : memref<1x8192xf32, #tpu.memory_space<vmem>>, vector<1x1024xf32>,
    } else {
    }
    %mul3A = arith.constant 2048 : i32
    %mul3A_4 = arith.muli %arg1, %mul3A : i32
    %get3A = arith.index_cast %mul3A_4 : i32 to index
    %get3A_5 = arith.constant 0 : index
    %get3A_6 = vector.load %arg8[%get3A, %get3A_5] : memref<8192x64xbf16, #tpu.memory_space<vmem>>, vector<2048x64xbf16>
    %mul3A_7 = arith.constant 4096 : i32
    %mul3A_8 = arith.muli %arg0, %mul3A_7 : i32
    %get3A_9 = arith.constant 0 : index
    %get3A_10 = arith.index_cast %mul3A_8 : i32 to index
    %get3A_11 = vector.load %arg7[%get3A_9, %get3A_10] : memref<64x8192xbf16, #tpu.memory_space<vmem>>, vector<64x4096xbf16>
    %dot_general3A = arith.constant dense<0.000000e+00> : vector<2048x4096xf32>
    %dot_general3A_12 = tpu.matmul %get3A_6, %get3A_11, %dot_general3A {dimension_numbers = #tpu.dot_dimension_numbers<[1], [0], [0], [1], [0, 0, 1, 1], [], []>, transpose_lhs_hint = false} : vector<2048x64xbf16>, vector<64x4096xbf16>, vector<2048x4096xf32> -> vector<2048x4096xf32>
    %mul3A_13 = arith.constant 4096 : i32
    %mul3A_14 = arith.muli %arg0, %mul3A_13 : i32
    %get3A_15 = arith.constant 0 : index
    %get3A_16 = arith.index_cast %mul3A_14 : i32 to index
    %get3A_17 = vector.load %arg9[%get3A_15, %get3A_16] : memref<1x8192xf32, #tpu.memory_space<vmem>>, vector<1x4096xf32>
    %add3A = vector.broadcast %get3A_17 : vector<1x4096xf32> to vector<2048x4096xf32>
    %add3A_18 = arith.addf %add3A, %dot_general3A_12 : vector<2048x4096xf32>
    %mul3A_19 = arith.constant 2048 : i32
    %mul3A_20 = arith.muli %arg1, %mul3A_19 : i32
    %get3A_21 = arith.index_cast %mul3A_20 : i32 to index
    %get3A_22 = arith.constant 0 : index
    %get3A_23 = vector.load %arg10[%get3A_21, %get3A_22] : memref<8192x1xf32, #tpu.memory_space<vmem>>, vector<2048x1xf32>
    %add3A_24 = vector.broadcast %get3A_23 : vector<2048x1xf32> to vector<2048x4096xf32>
    %add3A_25 = arith.addf %add3A_18, %add3A_24 : vector<2048x4096xf32>
    %reduce_min3A = arith.constant dense<0x7F800000> : vector<4096xf32>
    %reduce_min3A_26 = vector.multi_reduction <minimumf>, %add3A_25, %reduce_min3A [0] : vector<2048x4096xf32> to vector<4096xf32>
    %broadcast_in_dim3A = vector.shape_cast %reduce_min3A_26 : vector<4096xf32> to vector<1x4096xf32>
    %iota3A = tpu.iota {dimensions = array<i32: 0>} : vector<2048x1xi32>
    %mul3A_27 = arith.constant 2048 : i32
    %mul3A_28 = arith.muli %arg1, %mul3A_27 : i32
    %add3A_29 = vector.broadcast %mul3A_28 : i32 to vector<2048x1xi32>
    %add3A_30 = arith.addi %iota3A, %add3A_29 : vector<2048x1xi32>
    %convert_element_type3A_31 = arith.sitofp %add3A_30 : vector<2048x1xi32> to vector<2048x1xf32>
    %eq3A_32 = vector.broadcast %broadcast_in_dim3A : vector<1x4096xf32> to vector<2048x4096xf32>
    %eq3A_33 = arith.cmpf oeq, %add3A_25, %eq3A_32 : vector<2048x4096xf32>
    %jit3A = arith.constant 0x7F800000 : f32
    %broadcast_in_dim3A_34 = vector.shape_cast %convert_element_type3A_31 : vector<2048x1xf32> to vector<2048x1xf32>
    %broadcast_in_dim3A_35 = vector.broadcast %broadcast_in_dim3A_34 : vector<2048x1xf32> to vector<2048x4096xf32>
    %broadcast_in_dim3A_36 = vector.broadcast %jit3A : f32 to vector<2048x4096xf32>
    %select_n3A = arith.select %eq3A_33, %broadcast_in_dim3A_35, %broadcast_in_dim3A_36 : vector<2048x4096xi1>, vector<2048x4096xf32>
    %reduce_min3A_37 = arith.constant dense<0x7F800000> : vector<4096xf32>
    %reduce_min3A_38 = vector.multi_reduction <minimumf>, %select_n3A, %reduce_min3A_37 [0] : vector<2048x4096xf32> to vector<4096xf32>
    %broadcast_in_dim3A_39 = vector.shape_cast %reduce_min3A_38 : vector<4096xf32> to vector<1x4096xf32>
    %convert_element_type3A_40 = arith.fptosi %broadcast_in_dim3A_39 : vector<1x4096xf32> to vector<1x4096xi32>
    %eq3A_41 = arith.constant 0 : i32
    %eq3A_42 = arith.cmpi eq, %arg1, %eq3A_41 : i32
    %convert_element_type3A_43 = arith.extui %eq3A_42 : i1 to i32
    %cond3A_44 = arith.constant 0 : i32
    %cond3A_45 = arith.cmpi ne, %convert_element_type3A_43, %cond3A_44 : i32
    scf.if %cond3A_45 {
      %swap3A = arith.constant 0 : index
      %swap3A_60 = arith.constant 0 : index
      %swap3A_61 = vector.load %arg5[%swap3A, %swap3A_60] : memref<1x4096xf32, #tpu.memory_space<vmem>>, vector<1x4096xf32>
      tpu.vector_store %arg5[%swap3A, %swap3A_60], %broadcast_in_dim3A {strides = array<i32>} : memref<1x4096xf32, #tpu.memory_space<vmem>>, vector<1x4096xf32>,
      %swap3A_62 = arith.constant 0 : index
      %swap3A_63 = arith.constant 0 : index
      %swap3A_64 = vector.load %arg6[%swap3A_62, %swap3A_63] : memref<1x4096xi32, #tpu.memory_space<vmem>>, vector<1x4096xi32>
      tpu.vector_store %arg6[%swap3A_62, %swap3A_63], %convert_element_type3A_40 {strides = array<i32>} : memref<1x4096xi32, #tpu.memory_space<vmem>>, vector<1x4096xi32>,
    } else {
    }
    %gt3A = arith.constant 0 : i32
    %gt3A_46 = arith.cmpi sgt, %arg1, %gt3A : i32
    %convert_element_type3A_47 = arith.extui %gt3A_46 : i1 to i32
    %cond3A_48 = arith.constant 0 : i32
    %cond3A_49 = arith.cmpi ne, %convert_element_type3A_47, %cond3A_48 : i32
    scf.if %cond3A_49 {
      %get3A_60 = arith.constant 0 : index
      %get3A_61 = arith.constant 0 : index
      %get3A_62 = vector.load %arg5[%get3A_60, %get3A_61] : memref<1x4096xf32, #tpu.memory_space<vmem>>, vector<1x4096xf32>
      %lt3A = arith.cmpf olt, %broadcast_in_dim3A, %get3A_62 : vector<1x4096xf32>
      %get3A_63 = arith.constant 0 : index
      %get3A_64 = arith.constant 0 : index
      %get3A_65 = vector.load %arg6[%get3A_63, %get3A_64] : memref<1x4096xi32, #tpu.memory_space<vmem>>, vector<1x4096xi32>
      %select_n3A_66 = arith.select %lt3A, %convert_element_type3A_40, %get3A_65 : vector<1x4096xi1>, vector<1x4096xi32>
      %swap3A = arith.constant 0 : index
      %swap3A_67 = arith.constant 0 : index
      %swap3A_68 = vector.load %arg6[%swap3A, %swap3A_67] : memref<1x4096xi32, #tpu.memory_space<vmem>>, vector<1x4096xi32>
      tpu.vector_store %arg6[%swap3A, %swap3A_67], %select_n3A_66 {strides = array<i32>} : memref<1x4096xi32, #tpu.memory_space<vmem>>, vector<1x4096xi32>,
      %get3A_69 = arith.constant 0 : index
      %get3A_70 = arith.constant 0 : index
      %get3A_71 = vector.load %arg5[%get3A_69, %get3A_70] : memref<1x4096xf32, #tpu.memory_space<vmem>>, vector<1x4096xf32>
      %min3A = arith.minimumf %broadcast_in_dim3A, %get3A_71 : vector<1x4096xf32>
      %swap3A_72 = arith.constant 0 : index
      %swap3A_73 = arith.constant 0 : index
      %swap3A_74 = vector.load %arg5[%swap3A_72, %swap3A_73] : memref<1x4096xf32, #tpu.memory_space<vmem>>, vector<1x4096xf32>
      tpu.vector_store %arg5[%swap3A_72, %swap3A_73], %min3A {strides = array<i32>} : memref<1x4096xf32, #tpu.memory_space<vmem>>, vector<1x4096xf32>,
    } else {
    }
    %eq3A_50 = arith.constant 1 : i32
    %eq3A_51 = arith.cmpi eq, %arg1, %eq3A_50 : i32
    %convert_element_type3A_52 = arith.extui %eq3A_51 : i1 to i32
    %cond3A_53 = arith.constant 0 : i32
    %cond3A_54 = arith.cmpi ne, %convert_element_type3A_52, %cond3A_53 : i32
    scf.if %cond3A_54 {
      %get3A_60 = arith.constant 0 : index
      %get3A_61 = arith.constant 0 : index
      %get3A_62 = vector.load %arg5[%get3A_60, %get3A_61] : memref<1x4096xf32, #tpu.memory_space<vmem>>, vector<1x4096xf32>
      %convert_element_type3A_63 = arith.truncf %get3A_62 : vector<1x4096xf32> to vector<1x4096xbf16>
      %convert_element_type3A_64 = arith.extf %convert_element_type3A_63 : vector<1x4096xbf16> to vector<1x4096xf32>
      %swap3A = arith.constant 0 : index
      %swap3A_65 = arith.constant 0 : index
      %swap3A_66 = vector.load %arg5[%swap3A, %swap3A_65] : memref<1x4096xf32, #tpu.memory_space<vmem>>, vector<1x4096xf32>
      tpu.vector_store %arg5[%swap3A, %swap3A_65], %convert_element_type3A_64 {strides = array<i32>} : memref<1x4096xf32, #tpu.memory_space<vmem>>, vector<1x4096xf32>,
    } else {
    }
    %eq3A_55 = arith.constant 3 : i32
    %eq3A_56 = arith.cmpi eq, %arg1, %eq3A_55 : i32
    %convert_element_type3A_57 = arith.extui %eq3A_56 : i1 to i32
    %cond3A_58 = arith.constant 0 : i32
    %cond3A_59 = arith.cmpi ne, %convert_element_type3A_57, %cond3A_58 : i32
    scf.if %cond3A_59 {
      %get3A_60 = arith.constant 0 : index
      %get3A_61 = arith.constant 0 : index
      %get3A_62 = vector.load %arg6[%get3A_60, %get3A_61] : memref<1x4096xi32, #tpu.memory_space<vmem>>, vector<1x4096xi32>
      %swap3A = arith.constant 0 : index
      %swap3A_63 = arith.constant 0 : index
      %swap3A_64 = vector.load %arg4[%swap3A, %swap3A_63] : memref<1x4096xi32, #tpu.memory_space<vmem>>, vector<1x4096xi32>
      tpu.vector_store %arg4[%swap3A, %swap3A_63], %get3A_62 {strides = array<i32>} : memref<1x4096xi32, #tpu.memory_space<vmem>>, vector<1x4096xi32>,
    } else {
    }
    return
  }
  func.func @transform_0(%arg0: i32, %arg1: i32) -> (i32, i32, i32) {
    %c0_i32 = arith.constant 0 : i32
    %c0_i32_0 = arith.constant 0 : i32
    %c0_i32_1 = arith.constant 0 : i32
    %c0_i32_2 = arith.constant 0 : i32
    return %c0_i32, %c0_i32_0, %c0_i32_1 : i32, i32, i32
  }
  func.func @transform_1(%arg0: i32, %arg1: i32) -> (i32, i32) {
    %c0_i32 = arith.constant 0 : i32
    %c0_i32_0 = arith.constant 0 : i32
    %c0_i32_1 = arith.constant 0 : i32
    return %c0_i32, %c0_i32_0 : i32, i32
  }
  func.func @transform_2(%arg0: i32, %arg1: i32) -> (i32, i32) {
    %c0_i32 = arith.constant 0 : i32
    %c0_i32_0 = arith.constant 0 : i32
    return %c0_i32, %arg0 : i32, i32
  }
}

</mosaic_0001>

<sc_bundles>
// kernel: kernel.4.cloned.1.call-start
scs
__scs_entry_jumppad:
0x0: {  	(pc) =	sbr.rel $0x88, $3  }
0x1: {  	(tag) =	ssettag $0x0;
	lr =	simm.s32 $0x1  }
0x2: {  	[smem:$0x3F9F] =	sst lr;
	_ =	strace $0xD0000000  }
0x3: {  	_ = 	snop  }
0x4: {  	_ = 	snop  }
0x5: {  	_ = 	snop  }
0x6: {  	_ = 	snop  }
0x7: {  	_ = 	snop  }
__scs_overlays_trampoline_lowered:
0x8: {  	[smem:$0x3FAE] =	sst s0  }
0x9: {  	[smem:$0x3FAF] =	sst s1  }
0xa: {  	[smem:$0x3FB0] =	sst s2  }
0xb: {  	[smem:$0x3FB1] =	sst s3  }
0xc: {  	[smem:$0x3FB2] =	sst s4  }
0xd: {  	[smem:$0x3FB3] =	sst s5  }
0xe: {  	[smem:$0x3FB4] =	sst s6  }
0xf: {  	[smem:$0x3FB5] =	sst s7  }
0x10: {  	[smem:$0x3FB6] =	sst s8  }
0x11: {  	[smem:$0x3FB7] =	sst s9;
	s0 =	simm.s32 @!p0 $0x0  }
0x12: {  	s1 =	sld [smem:$0x3F9D];
	s0 =	simm.s32 @p0 $0x1  }
0x13: {  	[smem:$0x3FB8] =	sst s0;
	s0 =	simm.s32 @!p1 $0x0  }
0x14: {  	s2 =	sld [smem:$0x3F9C];
	s0 =	simm.s32 @p1 $0x1  }
0x15: {  	[smem:$0x3FB9] =	sst s0;
	s0 =	simm.s32 @!p2 $0x0  }
0x16: {  	s3 =	sld [smem:$0x3FDB];
	s0 =	simm.s32 @p2 $0x1  }
0x17: {  	s4 =	simm.s32 $0x1BF5;
	[smem:$0x3FBB] =	sst s0  }
0x18: {  	s0 =	sld [smem:$0x3F9E];
	_ =	swait.ge [sflag:s4], $0x0  }
0x19: {  	s7 =	sld [smem:$0x3F9F]  }
0x1a: {  	s8 =	sadd.s32 $0xFFFFE003, lr  }
0x1b: {  	s9 =	sadd.s32 $0xFFFFFEF7, lr;
	s5 =	simm.s32 $0xFFFFFFFF;
	p2 =	slt.u32 s8, $0xFFFFF086  }
0x1c: {  	p1 =	slt.u32 s9, $0xF7A;
	s5 =	simm.s32 @!p2 $0x0  }
0x1d: {  	s5 =	simm.s32 @p1 $0x1;
	p0 =	seq.s32 s7, s2  }
0x1e: {  	s7 =	smul.u32 @!p0 $0xF7A, s2;
	p2 =	seq.s32 @!p0 s5, $0x0  }
0x1f: {  	s9 =	smul.u32 $0xF7A, s1;
	s8 =	simm.s32 @!p0 $0x1BF5;
	p2 =	por !p2, p0  }
0x20: {  	[sflag:s8] =	ssyncset.s32 @!p0 $0xFFFFF086;
	s6 =	sadd.s32 @!p0 s3, s7;
	s7 =	simm.s32 @!p0 $0x108  }
0x21: {  	s3 =	sadd.s32 s3, s9;
	s6 =	sadd.s32 @!p0 $0x88, s6;
	s7 =	simm.s32 @p2 $0x1082  }
0x22: {  	[simem:s7], [sflag:s8] =	dma.local @!p0 [hbm:s6], $0xF7A  }
0x23: {  	s9 =	sor.u32 $0xD0000000, s2;
	s6 =	simm.s32 $0x108;
	_ =	swait.ge @!p0 [sflag:s8], $0x0  }
0x24: {  	s3 =	sadd.s32 $0x88, s3;
	s6 =	simm.s32 @!p1 $0x1082;
	[sflag:s4] =	ssyncset.s32 $0xFFFFF086  }
0x25: {  	[simem:s6], [sflag:s4] =	dma.local [hbm:s3], $0xF7A  }
0x26: {  	[smem:$0x3F9F] =	sst s1;
	(tag) =	ssettag s2;
	_ =	strace s9  }
0x27: {  	s1 =	sld [smem:$0x3FAF]  }
0x28: {  	s2 =	sld [smem:$0x3FB0]  }
0x29: {  	s4 =	sld [smem:$0x3FB2]  }
0x2a: {  	p0 =	seq.s32 s5, $0x0;
	s5 =	sld [smem:$0x3FB3]  }
0x2b: {  	s6 =	sld [smem:$0x3FB4]  }
0x2c: {  	s7 =	sld [smem:$0x3FB5]  }
0x2d: {  	s3 =	simm.s32 $0x108;
	s8 =	sld [smem:$0x3FB6]  }
0x2e: {  	s3 =	simm.s32 @!p0 $0x1082;
	s9 =	sld [smem:$0x3FB7]  }
0x2f: {  	lr =	sadd.s32 s0, s3;
	s0 =	sld [smem:$0x3FAE]  }
0x30: {  	s3 =	sld [smem:$0x3FB1]  }
0x31: {  	[smem:$0x3FBA] =	sst s10  }
0x32: {  	s10 =	sld [smem:$0x3FB8];
	_ =	sdelay $0x3  }
0x33: {  	p0 =	seq.s32 s10, $0x1;
	s10 =	sld [smem:$0x3FBA];
	_ =	sdelay $0x3  }
0x34: {  	[smem:$0x3FBA] =	sst s10  }
0x35: {  	s10 =	sld [smem:$0x3FB9];
	_ =	sdelay $0x3  }
0x36: {  	p1 =	seq.s32 s10, $0x1;
	s10 =	sld [smem:$0x3FBA];
	_ =	sdelay $0x3  }
0x37: {  	[smem:$0x3FBA] =	sst s10  }
0x38: {  	s10 =	sld [smem:$0x3FBB]  }
0x39: {  	_ = 	snop;
	(pc) =	sbr.ind lr, $3  }
0x3a: {  	_ = 	snop  }
0x3b: {  	_ = 	snop  }
0x3c: {  	p2 =	seq.s32 s10, $0x1;
	s10 =	sld [smem:$0x3FBA]  }
0x3d: {  	_ =	shalt  }
0x3e: {  	_ =	shalt  }
0x3f: {  	_ =	shalt  }
0x40: {  	_ =	shalt  }
0x41: {  	_ =	shalt  }
0x42: {  	_ =	shalt  }
0x43: {  	_ =	shalt  }
0x44: {  	_ =	shalt  }
0x45: {  	_ =	shalt  }
0x46: {  	_ =	shalt  }
0x47: {  	_ =	shalt  }
0x48: {  	_ =	shalt  }
0x49: {  	_ =	shalt  }
0x4a: {  	_ =	shalt  }
0x4b: {  	_ =	shalt  }
0x4c: {  	_ =	shalt  }
0x4d: {  	_ =	shalt  }
0x4e: {  	_ =	shalt  }
0x4f: {  	_ =	shalt  }
0x50: {  	_ =	shalt  }
0x51: {  	_ =	shalt  }
0x52: {  	_ =	shalt  }
0x53: {  	_ =	shalt  }
0x54: {  	_ =	shalt  }
0x55: {  	_ =	shalt  }
0x56: {  	_ =	shalt  }
0x57: {  	_ =	shalt  }
0x58: {  	_ =	shalt  }
0x59: {  	_ =	shalt  }
0x5a: {  	_ =	shalt  }
0x5b: {  	_ =	shalt  }
0x5c: {  	_ =	shalt  }
0x5d: {  	_ =	shalt  }
0x5e: {  	_ =	shalt  }
0x5f: {  	_ =	shalt  }
0x60: {  	_ =	shalt  }
0x61: {  	_ =	shalt  }
0x62: {  	_ =	shalt  }
0x63: {  	_ =	shalt  }
0x64: {  	_ =	shalt  }
0x65: {  	_ =	shalt  }
0x66: {  	_ =	shalt  }
0x67: {  	_ =	shalt  }
0x68: {  	_ =	shalt  }
0x69: {  	_ =	shalt  }
0x6a: {  	_ =	shalt  }
0x6b: {  	_ =	shalt  }
0x6c: {  	_ =	shalt  }
0x6d: {  	_ =	shalt  }
0x6e: {  	_ =	shalt  }
0x6f: {  	_ =	shalt  }
0x70: {  	_ =	shalt  }
0x71: {  	_ =	shalt  }
0x72: {  	_ =	shalt  }
0x73: {  	_ =	shalt  }
0x74: {  	_ =	shalt  }
0x75: {  	_ =	shalt  }
0x76: {  	_ =	shalt  }
0x77: {  	_ =	shalt  }
0x78: {  	_ =	shalt  }
0x79: {  	_ =	shalt  }
0x7a: {  	_ =	shalt  }
0x7b: {  	_ =	shalt  }
0x7c: {  	_ =	shalt  }
0x7d: {  	_ =	shalt  }
0x7e: {  	_ =	shalt  }
0x7f: {  	_ =	shalt  }
0x80: {  	_ =	shalt  }
0x81: {  	_ =	shalt  }
0x82: {  	_ =	shalt  }
0x83: {  	_ =	shalt  }
0x84: {  	_ =	shalt  }
0x85: {  	_ =	shalt  }
0x86: {  	_ =	shalt  }
0x87: {  	_ =	shalt  }
.Lfunc_end0:
.L_simem_size_0:
called_computation_lowered:
.L_overlay_start_0:
0x88: {  	s2 =	sld [smem:$0x3FD9]  }
0x89: {  	s3 =	sld [smem:$0x3FFE];
	_ =	sdelay $0x1  }
0x8a: {  	s1 =	srdreg.scid  }
0x8b: {  	s0 =	sand.u32 $0x1, s1  }
0x8c: {  	s14 =	sshll.u32 s0, $0xA;
	s2 =	sadd.s32 s3, s2  }
0x8d: {  	s2 =	sadd.s32 s2, s14  }
0x8e: {  	[smem:$0x3FC6] =	sst s2  }
0x8f: {  	_ = 	snop  }
0x90: {  	s2 =	sld [smem:$0x3FD0];
	_ =	sdelay $0x2  }
0x91: {  	s15 =	simm.s32 $0xA;
	s4 =	simm.s32 $0x10  }
0x92: {  	[smem:s4], [sflag:s15] =	dma.local [hbm:s2], $0x1  }
0x93: {  	_ =	swait.eq [sflag:s15], $0x1  }
0x94: {  	[sflag:s15] =	ssyncset.done $0x0  }
0x95: {  	s16 =	sld [smem:$0x10];
	[sflag:s15] =	ssyncadd.s32 $0xFFFFFFFF  }
0x96: {  	s17 =	sld [smem:$0x12];
	(tm) =	ssettm $0x1  }
0x97: {  	s18 =	sld [smem:$0x3FFB];
	_ =	sdelay $0x3  }
0x98: {  	_ =	strace s18  }
0x99: {  	s4 =	sld [smem:$0x3FFC];
	_ =	sdelay $0x3  }
0x9a: {  	_ =	strace s4  }
0x9b: {  	s4 =	sld [smem:$0x3FFD];
	_ =	sdelay $0x3  }
0x9c: {  	_ =	strace s4  }
0x9d: {  	_ =	strace $0x8FFFFFFF  }
0x9e: {  	s19 =	sld [smem:$0x3FDB];
	_ =	sdelay $0x1  }
0x9f: {  	s5 =	simm.s32 $_scs_section_size  }
0xa0: {  	s6 =	simm.s32 $_size__tile_overlayer_lowered;
	s7 =	simm.s32 $_tile_overlayer_lowered  }
0xa1: {  	s22 =	simm.s32 $0x1BFF;
	s21 =	sshll.u32 s7, $0x1;
	s4 =	sadd.s32 s5, s19  }
0xa2: {  	s8 =	simm.s32 $0x0;
	s20 =	sshll.u32 s6, $0x1;
	s6 =	sadd.s32 s21, s4  }
0xa3: {  	[timem:s8], [sflag:s22] =	dma.local [hbm:s6], s20  }
0xa4: {  	_ =	swait.ge [sflag:s22], s20  }
0xa5: {  	s5 =	ssub.s32 $0x0, s20;
	[sflag:s22] =	ssyncset.done $0x0  }
0xa6: {  	[sflag:s22] =	ssyncadd.s32 s5;
	_ =	sdelay $0x1  }
0xa7: {  	s23 =	simm.s32 $0x1B8B  }
0xa8: {  	_ =	swait.ge [sflag:s23], $0x1  }
0xa9: {  	[sflag:s23] =	ssyncset.done $0x0  }
0xaa: {  	s25 =	simm.s32 $0x1B8E;
	s24 =	sld [smem:$0x3FFE];
	[sflag:s23] =	ssyncadd.s32 $0xFFFFFFFF  }
0xab: {  	s26 =	simm.s32 $execute0_lowered;
	[smem:$0x3FD2] =	sst s25  }
0xac: {  	s6 =	sshll.u32 s26, $0x1;
	_ =	strace $0x80000046;
	[dreg:$0x1] =	wrdreg $0xFFFFFFFF  }
0xad: {  	s28 =	simm.s32 $_size_execute0_lowered;
	s4 =	sadd.s32 s4, s6;
	[dreg:$0x0] =	wrdreg $0x0  }
0xae: {  	s6 =	sshll.u32 s28, $0x1;
	[dreg:$0x2] =	wrdreg s4  }
0xaf: {  	[dreg:$0x3] =	wrdreg s6  }
0xb0: {  	[dreg:$0x4] =	wrdreg $0xC0  }
0xb1: {  	_ =	task [dreg:s8], $0x5FFFF  }
0xb2: {  	[dreg:$0x1] =	wrdreg $0xFFFFFFFF  }
0xb3: {  	[dreg:$0x0] =	wrdreg $0x60  }
0xb4: {  	[dreg:$0x2] =	wrdreg s17  }
0xb5: {  	[dreg:$0x3] =	wrdreg s24  }
0xb6: {  	[dreg:$0x4] =	wrdreg s16  }
0xb7: {  	[dreg:$0x5] =	wrdreg $0x9  }
0xb8: {  	_ =	task.clear_ibuf [dreg:s8], $0x6FFFF;
	_ =	strace $0x90000046  }
0xb9: {  	s29 =	simm.s32 $0x9;
	_ =	strace $0x80000048  }
0xba: {  	_ =	swait.ge [sflag:s29], $0x1  }
0xbb: {  	[sflag:s29] =	ssyncadd.s32 $0xFFFFFFFF  }
0xbc: {  	_ =	strace $0x90000048  }
0xbd: {  	_ =	sfence  }
0xbe: {  	s30 =	sld [smem:$0x0];
	_ =	sdelay $0x2  }
0xbf: {  	s31 =	sshll.u32 s1, $0xD;
	s1 =	sshrl.u32 s1, $0x2  }
0xc0: {  	s3 =	sand.u32 $0x4000, s31;
	s1 =	sadd.s32 s1, s30  }
0xc1: {  	s0 =	sor.u32 s3, s0;
	s1 =	sshll.u32 s1, $0x11  }
0xc2: {  	s0 =	sor.u32 s1, s0  }
0xc3: {  	s0 =	sadd.s32 $0x8F2B, s0  }
0xc4: {  	[sflag:s0] =	ssyncadd.remote.s32 $0x1  }
0xc5: {  	_ =	sfence.sel $0xFFFF  }
0xc6: {  	[dreg:$0x0] =	wrdreg $0xFFFFFFFF;
	(pc) =	sbr.abs _section_cstart, $3  }
0xc7: {  	[dreg:$0x1] =	wrdreg $0xFFFFFFFF  }
0xc8: {  	_ =	task.clear_ibuf [dreg:s8], $0x2FFFF;
	_ =	strace $0x9FFFFFFF  }
0xc9: {  	(tm) =	ssettm $0x7FFFFFFF  }
tec
execute0_lowered:
.L_overlay_start_1:
0x0: {  	(tag) =	ssettag $0x1  }
0x1: {  	s2 =	srdreg.scid  }
0x2: {  	s1 =	rddreg [dreg:$0x0];
	s0 =	stileid.u32;
	s6 =	sand.u32 $0x1, s2  }
0x3: {  	s4 =	rddreg [dreg:$0x1];
	s30 =	sshll.u32 s0, $0x9;
	s3 =	sshll.u32 s6, $0x8  }
0x4: {  	s8 =	rddreg [dreg:$0x2];
	s9 =	sor.u32 s3, s30  }
0x5: {  	s2 =	rddreg [dreg:$0x3];
	s3 =	simm.s32 $0x0;
	s5 =	sshrl.u32 s9, $0x3  }
0x6: {  	s10 =	ssub.s32 $0x2, s6;
	[smem:$0x7FF] =	sst s3;
	s4 =	sadd.s32 s5, s4  }
0x7: {  	_ =	strace $0x80000047;
	s5 =	sadd.s32 $0x800, s4;
	s4 =	simm.s32 $0x2  }
0x8: {  	[tilespmem:s3], [sflag:$0x2] =	stream.linear.gather [hbm4b:s5+s3], $0x100, $0x38;
	[tilespmem:$0x4100] =	vst v63  }
0x9: {  	s11 =	sshrl.u32 s10, $0x1;
	_ =	swait.ge [sflag:s4], $0x100  }
0xa: {  	s7 =	simm.s32 $0x1;
	s10 =	ssub.s32 s10, s11;
	[sflag:s4] =	ssyncset.done $0x0  }
0xb: {  	s6 =	simm.s32 $0x100;
	s31 =	smax.u32 s10, $0x1;
	[sflag:s4] =	ssyncadd.s32 $0xFFFFFF00  }
0xc: {  	[tilespmem:s6], [sflag:$0x1] =	stream.indirect.gather [hbm4b:s1+s6], $0x40, s3, s6, $0xb8;
	[tilespmem:$0x4100] =	vst v63  }
0xd: {  	p0 =	sne.s32 s31, $0x1;
	_ =	swait.ge [sflag:s7], $0x4000  }
.Ltmp0:
0xe: {  	s9 =	sshll.u32 s9, $0x3;
	[sflag:s7] =	ssyncset.done $0x0;
	(pc) =	sbr.rel @!p0 .LBB2_2-.Ltmp0, $4  }
0xf: {  	s8 =	sadd.s32 s8, s9;
	[sflag:s7] =	ssyncadd.s32 $0xFFFFC000  }
0x10: {  	[hbm4b:s8+s3] =	stream.linear.scatter [tilespmem:s6], [sflag:$0x2], $0x4000, $0x38;
	[tilespmem:$0x4100] =	vst v63  }
0x11: {  	_ =	swait.ge [sflag:s4], $0x4000  }
0x12: {  	s9 =	sadd.s32 $0xFFFFFFFF, s31;
	[sflag:s4] =	ssyncset.done $0x0  }
.LBB2_1:
0x13: {  	p0 =	sne.s32 s9, $0x1;
	s9 =	sadd.s32 $0xFFFFFFFF, s9;
	[sflag:s4] =	ssyncadd.s32 $0xFFFFC000  }
0x14: {  	[tilespmem:s3], [sflag:$0x2] =	stream.linear.gather [hbm4b:s5+s3], $0x100, $0x38;
	[tilespmem:$0x4100] =	vst v63  }
0x15: {  	_ =	swait.ge [sflag:s4], $0x100  }
0x16: {  	[sflag:s4] =	ssyncset.done $0x0  }
0x17: {  	[sflag:s4] =	ssyncadd.s32 $0xFFFFFF00  }
0x18: {  	[tilespmem:s6], [sflag:$0x1] =	stream.indirect.gather [hbm4b:s1+s6], $0x40, s3, s6, $0xb8;
	[tilespmem:$0x4100] =	vst v63  }
0x19: {  	_ =	swait.ge [sflag:s7], $0x4000  }
.Ltmp1:
0x1a: {  	[sflag:s7] =	ssyncset.done $0x0;
	(pc) =	sbr.rel @p0 .LBB2_1-.Ltmp1, $4  }
0x1b: {  	[sflag:s7] =	ssyncadd.s32 $0xFFFFC000  }
0x1c: {  	[hbm4b:s8+s3] =	stream.linear.scatter [tilespmem:s6], [sflag:$0x2], $0x4000, $0x38;
	[tilespmem:$0x4100] =	vst v63  }
0x1d: {  	_ =	swait.ge [sflag:s4], $0x4000  }
0x1e: {  	[sflag:s4] =	ssyncset.done $0x0  }
.LBB2_2:
0x1f: {  	[sflag:s4] =	ssyncadd.s32 $0xFFFFC000  }
0x20: {  	_ =	sfence.sel $0x180000  }
0x21: {  	[bflag:$0x0] =	sbarrier.arrive $0xFFFF  }
0x22: {  	p0 =	sne.s32 s0, $0x0;
	_ =	strace $0x90000047  }
0x23: {  	s0 =	sadd.s32 @!p0 $0x100000, s2;
	[bflag:$0x2] =	sbarrier.arrive $0xFFFF  }
0x24: {  	[sflag:s0] =	ssyncadd.tile.s32 @!p0 $0x1;
	_ =	shalt  }
.Lfunc_end2:
_tile_overlayer_lowered:
.L_overlay_start_2:
0x25: {  	(tag) =	ssettag $0x2  }
0x26: {  	s0 =	rddreg [dreg:$0x0];
	s2 =	stileid.u32  }
0x27: {  	s1 =	rddreg [dreg:$0x1];
	p0 =	sne.s32 s2, $0x0  }
0x28: {  	s3 =	rddreg [dreg:$0x2];
	[bflag:$0x3] =	sbarrier.arrive $0xFFFF;
	s2 =	simm.s32 @!p0 $0x1C02  }
0x29: {  	[timem:s3], [sflag:s2] =	dma.local @!p0 [hbm:s0], s1  }
0x2a: {  	s0 =	simm.s32 @!p0 $0x2  }
0x2b: {  	_ =	swait.ge @!p0 [sflag:s0], s1  }
0x2c: {  	s1 =	ssub.s32 @!p0 $0x0, s1;
	[sflag:s0] =	ssyncset.done @!p0 $0x0  }
0x2d: {  	[sflag:s0] =	ssyncadd.s32 @!p0 s1  }
0x2e: {  	[bflag:$0x3] =	sbarrier.arrive $0xFFFF  }
0x2f: {  	_ =	shalt  }

</sc_bundles>
